<compile_context>
chip_gen: v7x
topology: tpu7x:2x2x1
jax: 0.10.2.dev20260603
libtpu: 0.0.44.dev20260713+nightly
codegen_flags: <defaults>
</compile_context>

<pallas_src>
import functools

import jax
import jax.numpy as jnp
from jax import lax
from jax.experimental import pallas as pl
from jax.experimental.pallas import tpu as pltpu
from jax.experimental.pallas import tpu_sc as plsc

_N = 8192
_BM = 1024
_NCODE = 8192
_D = 64
_CK = 2048
_BF = jnp.bfloat16



def _enc_body(x_ref, w1_ref, b1_ref, w2_ref, b2_ref, w3_ref, b3_ref, z_ref):
    h = jnp.dot(x_ref[...], w1_ref[...], preferred_element_type=jnp.float32) + b1_ref[...]
    h = jnp.maximum(h, 0.0).astype(_BF)
    h = jnp.dot(h, w2_ref[...], preferred_element_type=jnp.float32) + b2_ref[...]
    h = jnp.maximum(h, 0.0).astype(_BF)
    z_ref[...] = jnp.dot(h, w3_ref[...], preferred_element_type=jnp.float32) + b3_ref[...]


def _encode(x, W1, b1, W2, b2, W3, b3):
    return pl.pallas_call(
        _enc_body,
        grid=(_N // _BM,),
        in_specs=[
            pl.BlockSpec((_BM, 768), lambda i: (i, 0)),
            pl.BlockSpec((768, 1024), lambda i: (0, 0)),
            pl.BlockSpec((1, 1024), lambda i: (0, 0)),
            pl.BlockSpec((1024, 512), lambda i: (0, 0)),
            pl.BlockSpec((1, 512), lambda i: (0, 0)),
            pl.BlockSpec((512, _D), lambda i: (0, 0)),
            pl.BlockSpec((1, _D), lambda i: (0, 0)),
        ],
        out_specs=pl.BlockSpec((_BM, _D), lambda i: (i, 0)),
        out_shape=jax.ShapeDtypeStruct((_N, _D), jnp.float32),
    )(x.astype(_BF), W1.astype(_BF), b1.reshape(1, -1), W2.astype(_BF),
      b2.reshape(1, -1), W3.astype(_BF), b3.reshape(1, -1))



def _dist_body(z_ref, cb_ref, a_ref, b_ref, idx_ref):
    z = z_ref[...]
    a = a_ref[...]
    best = jnp.full((_BM, 1), jnp.inf, jnp.float32)
    bidx = jnp.zeros((_BM, 1), jnp.int32)
    for k in range(_NCODE // _CK):
        cb = cb_ref[k * _CK:(k + 1) * _CK, :]
        c = lax.dot_general(z, cb, (((1,), (1,)), ((), ())),
                            preferred_element_type=jnp.float32)
        d = (a + b_ref[:, k * _CK:(k + 1) * _CK]) - 2.0 * c
        m = jnp.min(d, axis=1, keepdims=True)
        io = lax.broadcasted_iota(jnp.int32, d.shape, 1) + k * _CK
        li = jnp.min(jnp.where(d == m, io, _NCODE), axis=1, keepdims=True)
        upd = m < best
        bidx = jnp.where(upd, li, bidx)
        best = jnp.where(upd, m, best)
    idx_ref[...] = bidx


def _argmin_codes(z, codebook, a, bsq):
    return pl.pallas_call(
        _dist_body,
        grid=(_N // _BM,),
        in_specs=[
            pl.BlockSpec((_BM, _D), lambda i: (i, 0)),
            pl.BlockSpec((_NCODE, _D), lambda i: (0, 0)),
            pl.BlockSpec((_BM, 1), lambda i: (i, 0)),
            pl.BlockSpec((1, _NCODE), lambda i: (0, 0)),
        ],
        out_specs=pl.BlockSpec((_BM, 1), lambda i: (i, 0)),
        out_shape=jax.ShapeDtypeStruct((_N, 1), jnp.int32),
    )(z, codebook, a, bsq)



_NC = 2
_NS = 16
_NW = _NC * _NS
_BPW = _N // _NW
_ICH = 128


def _make_gather():
    mesh = plsc.VectorSubcoreMesh(core_axis_name="c", subcore_axis_name="s")
    nch = _BPW // _ICH

    @functools.partial(
        pl.kernel, mesh=mesh,
        out_type=jax.ShapeDtypeStruct((_N, 128), jnp.float32),
        scratch_types=[
            pltpu.VMEM((nch, _ICH), jnp.int32),
            pltpu.VMEM((_BPW, 128), jnp.float32),
            pltpu.SemaphoreType.DMA,
        ],
    )
    def gather_k(table_hbm, idx_hbm, out_hbm, idx_v, rows_v, sem):
        wid = lax.axis_index("s") * _NC + lax.axis_index("c")
        base = wid * _BPW
        pltpu.sync_copy(idx_hbm.at[pl.ds(wid * nch, nch)], idx_v)
        copies = []
        for j in range(nch):
            copies.append(pltpu.async_copy(
                table_hbm.at[idx_v.at[j]],
                rows_v.at[pl.ds(j * _ICH, _ICH)], sem))
        for cp in copies:
            cp.wait()
        pltpu.sync_copy(rows_v, out_hbm.at[pl.ds(base, _BPW)])

    return gather_k



def _dec_body(z_ref, q_ref, v1_ref, c1_ref, v2_ref, c2_ref, v3_ref, c3_ref,
              recon_ref, qst_ref, lp_ref):
    z = z_ref[...]
    q = q_ref[:, :_D]
    qd = q - z
    qst = z + qd
    qst_ref[...] = qst
    lp_ref[...] = jnp.sum(qd * qd, axis=0, keepdims=True)[None]
    h = jnp.dot(qst.astype(_BF), v1_ref[...], preferred_element_type=jnp.float32) + c1_ref[...]
    h = jnp.maximum(h, 0.0).astype(_BF)
    h = jnp.dot(h, v2_ref[...], preferred_element_type=jnp.float32) + c2_ref[...]
    h = jnp.maximum(h, 0.0).astype(_BF)
    recon_ref[...] = jnp.dot(h, v3_ref[...], preferred_element_type=jnp.float32) + c3_ref[...]


def _decode(z, q, V1, c1, V2, c2, V3, c3):
    return pl.pallas_call(
        _dec_body,
        grid=(_N // _BM,),
        in_specs=[
            pl.BlockSpec((_BM, _D), lambda i: (i, 0)),
            pl.BlockSpec((_BM, 128), lambda i: (i, 0)),
            pl.BlockSpec((_D, 512), lambda i: (0, 0)),
            pl.BlockSpec((1, 512), lambda i: (0, 0)),
            pl.BlockSpec((512, 1024), lambda i: (0, 0)),
            pl.BlockSpec((1, 1024), lambda i: (0, 0)),
            pl.BlockSpec((1024, 768), lambda i: (0, 0)),
            pl.BlockSpec((1, 768), lambda i: (0, 0)),
        ],
        out_specs=[
            pl.BlockSpec((_BM, 768), lambda i: (i, 0)),
            pl.BlockSpec((_BM, _D), lambda i: (i, 0)),
            pl.BlockSpec((1, 1, _D), lambda i: (i, 0, 0)),
        ],
        out_shape=[
            jax.ShapeDtypeStruct((_N, 768), jnp.float32),
            jax.ShapeDtypeStruct((_N, _D), jnp.float32),
            jax.ShapeDtypeStruct((_N // _BM, 1, _D), jnp.float32),
        ],
    )(z, q, V1.astype(_BF), c1.reshape(1, -1), V2.astype(_BF),
      c2.reshape(1, -1), V3.astype(_BF), c3.reshape(1, -1))



def kernel(x, W1, b1, W2, b2, W3, b3, codebook, V1, c1, V2, c2, V3, c3):
    z = _encode(x, W1, b1, W2, b2, W3, b3)
    distances = (jnp.sum(z ** 2, axis=1, keepdims=True)
                 + jnp.sum(codebook ** 2, axis=1)
                 - 2.0 * (z @ codebook.T))
    indices = jnp.argmin(distances, axis=1)[:, None].astype(jnp.int32)
    table = jnp.pad(codebook.astype(_BF).astype(jnp.float32), ((0, 0), (0, 64)))
    idx2 = indices.reshape(_NW * (_BPW // _ICH), _ICH)
    quantized = _make_gather()(table, idx2)
    recon, qst, lp = _decode(z, quantized, V1, c1, V2, c2, V3, c3)
    m = jnp.sum(lp) / (_N * _D)
    loss = m + 0.25 * m
    return (recon, qst, loss, indices)

# --- scband reference (transcript-rebuilt; emitter-appended) ---
"""Pipeline reference for scband-vq-vae-12867722019111 (READ-ONLY COPY).

The authoritative reference and input builder live on the scoring server;
editing this copy changes nothing except your own understanding.
"""

import jax, jax.numpy as jnp
import numpy as np


def _lin(k, fi, fo):
    kw, kb = jax.random.split(k)
    bound = 1.0 / np.sqrt(fi)
    W = jax.random.uniform(kw, (fi, fo), minval=-bound, maxval=bound, dtype=jnp.float32)
    b = jax.random.uniform(kb, (fo,), minval=-bound, maxval=bound, dtype=jnp.float32)
    return W, b


def setup_inputs(seed: int = 0):
    key = jax.random.key(seed)
    ks = jax.random.split(key, 8)
    x = jax.random.normal(ks[0], (8192, 768), dtype=jnp.float32)
    W1, b1 = _lin(ks[1], 768, 1024)
    W2, b2 = _lin(ks[2], 1024, 512)
    W3, b3 = _lin(ks[3], 512, 64)
    codebook = jax.random.uniform(ks[4], (8192, 64), minval=-1.0 / 8192.0, maxval=1.0 / 8192.0, dtype=jnp.float32)
    V1, c1 = _lin(ks[5], 64, 512)
    V2, c2 = _lin(ks[6], 512, 1024)
    V3, c3 = _lin(ks[7], 1024, 768)
    return {"x": x, "W1": W1, "b1": b1, "W2": W2, "b2": b2, "W3": W3, "b3": b3,
            "codebook": codebook, "V1": V1, "c1": c1, "V2": V2, "c2": c2, "V3": V3, "c3": c3}


def reference(x, W1, b1, W2, b2, W3, b3, codebook, V1, c1, V2, c2, V3, c3):
    # encoder MLP: 768 -> 1024 -> 512 -> 64 (ReLU between hidden layers)
    h = jax.nn.relu(x @ W1 + b1)
    h = jax.nn.relu(h @ W2 + b2)
    z = h @ W3 + b3
    # squared-distance to codebook entries
    distances = jnp.sum(z ** 2, axis=1, keepdims=True) + jnp.sum(codebook ** 2, axis=1) - 2.0 * (z @ codebook.T)
    indices = jnp.argmin(distances, axis=1)[:, None]
    # one-hot scatter then matmul (faithful to torch scatter_ + matmul)
    encodings = jax.nn.one_hot(indices[:, 0], codebook.shape[0], dtype=z.dtype)
    quantized = (encodings @ codebook).reshape(z.shape)
    # training-mode VQ losses (nn.Module defaults to training=True)
    e_latent_loss = jnp.mean((jax.lax.stop_gradient(quantized) - z) ** 2)
    q_latent_loss = jnp.mean((quantized - jax.lax.stop_gradient(z)) ** 2)
    loss = q_latent_loss + 0.25 * e_latent_loss
    # straight-through estimator
    quantized_st = z + jax.lax.stop_gradient(quantized - z)
    # decoder MLP: 64 -> 512 -> 1024 -> 768
    h = jax.nn.relu(quantized_st @ V1 + c1)
    h = jax.nn.relu(h @ V2 + c2)
    reconstructed = h @ V3 + c3
    return (reconstructed, quantized_st, loss, indices)

if __name__ == "__main__":
    import jax
    _d = setup_inputs()
    print(jax.jit(kernel)(*tuple(_d.values())))

</pallas_src>

<mosaic_0001>
#map = affine_map<(d0, d1) -> (0, 0)>
module attributes {stable_mosaic.version = 14 : i64} {
  func.func @gather_k(%arg0: i32, %arg1: i32, %arg2: memref<8192x128xf32, #tpu.memory_space<hbm>>, %arg3: memref<64x128xi32, #tpu.memory_space<hbm>>, %arg4: memref<8192x128xf32, #tpu.memory_space<hbm>>, %arg5: memref<2x128xi32, #tpu.memory_space<vmem>>, %arg6: memref<256x128xf32, #tpu.memory_space<vmem>>, %arg7: memref<!tpu.dma_semaphore, #tpu.memory_space<semaphore_mem>>) attributes {dimension_semantics = [#tpu.dimension_semantics<core_parallel>, #tpu.dimension_semantics<subcore_parallel>], iteration_bounds = array<i64: 2, 16>, scalar_prefetch = 0 : i64, scratch_operands = 3 : i64, tpu.core_type = #tpu.core_type<sc_vector_subcore>, window_params = [{transform_indices = #map}, {transform_indices = #map}, {transform_indices = #map}]} {
    %mul3A = arith.constant 2 : i32
    %mul3A_0 = arith.muli %arg1, %mul3A : i32
    %add3A = arith.addi %mul3A_0, %arg0 : i32
    %mul3A_1 = arith.constant 256 : i32
    %mul3A_2 = arith.muli %add3A, %mul3A_1 : i32
    %mul3A_3 = arith.constant 2 : i32
    %mul3A_4 = arith.muli %add3A, %mul3A_3 : i32
    "tpu.region"() ({
      %run_scoped3A = tpu.sem_alloc : memref<!tpu.dma_semaphore, #tpu.memory_space<semaphore_mem>>
      %dma_start3A_43 = arith.constant 0 : i32
      %dma_start3A_44 = tpu.memref_slice %arg3[%mul3A_4, %dma_start3A_43] : memref<64x128xi32, #tpu.memory_space<hbm>> -> memref<2x128xi32, #tpu.memory_space<hbm>>
      %dma_start3A_45 = arith.constant 0 : i32
      %dma_start3A_46 = tpu.memref_slice %arg3[%mul3A_4, %dma_start3A_45] : memref<64x128xi32, #tpu.memory_space<hbm>> -> memref<2x128xi32, #tpu.memory_space<hbm>>
      tpu.enqueue_dma source(%dma_start3A_46 : memref<2x128xi32, #tpu.memory_space<hbm>>) target(%arg5 : memref<2x128xi32, #tpu.memory_space<vmem>>) target_semaphore(%run_scoped3A : memref<!tpu.dma_semaphore, #tpu.memory_space<semaphore_mem>>)
      %dma_wait3A_47 = arith.constant 0 : i32
      %dma_wait3A_48 = tpu.memref_slice %arg3[%mul3A_4, %dma_wait3A_47] : memref<64x128xi32, #tpu.memory_space<hbm>> -> memref<2x128xi32, #tpu.memory_space<hbm>>
      %dma_wait3A_49 = arith.constant 0 : i32
      %dma_wait3A_50 = tpu.memref_slice %arg3[%mul3A_4, %dma_wait3A_49] : memref<64x128xi32, #tpu.memory_space<hbm>> -> memref<2x128xi32, #tpu.memory_space<hbm>>
      tpu.wait_dma2 semaphore(%run_scoped3A : memref<!tpu.dma_semaphore, #tpu.memory_space<semaphore_mem>>) src(%dma_wait3A_50 : memref<2x128xi32, #tpu.memory_space<hbm>>) dst(%arg5 : memref<2x128xi32, #tpu.memory_space<vmem>>)
      tpu.yield
    }) : () -> ()
    %dma_start3A = arith.constant 0 : i32
    %dma_start3A_5 = arith.constant 0 : i32
    %dma_start3A_6 = arith.constant 0 : i32
    %dma_start3A_7 = tpu.memref_slice %arg6[%dma_start3A_5, %dma_start3A_6] : memref<256x128xf32, #tpu.memory_space<vmem>> -> memref<128x128xf32, #tpu.memory_space<vmem>>
    %dma_start3A_8 = arith.constant 0 : i32
    %dma_start3A_9 = tpu.memref_slice %arg5[%dma_start3A, %dma_start3A_8] : memref<2x128xi32, #tpu.memory_space<vmem>> -> memref<1x128xi32, #tpu.memory_space<vmem>>
    %dma_start3A_10 = tpu.memref_squeeze %dma_start3A_9 : memref<1x128xi32, #tpu.memory_space<vmem>> -> memref<128xi32, #tpu.memory_space<vmem>>
    %dma_start3A_11 = arith.constant 0 : i32
    %dma_start3A_12 = arith.constant 0 : i32
    %dma_start3A_13 = tpu.memref_slice %arg2[%dma_start3A_11, %dma_start3A_12] : memref<8192x128xf32, #tpu.memory_space<hbm>> -> memref<8192x128xf32, #tpu.memory_space<hbm>>
    tpu.enqueue_indirect_dma source(%dma_start3A_13 : memref<8192x128xf32, #tpu.memory_space<hbm>>) target(%dma_start3A_7 : memref<128x128xf32, #tpu.memory_space<vmem>>) offsets(%dma_start3A_10 : memref<128xi32, #tpu.memory_space<vmem>>) semaphore(%arg7 : memref<!tpu.dma_semaphore, #tpu.memory_space<semaphore_mem>>)
    %dma_start3A_14 = arith.constant 1 : i32
    %dma_start3A_15 = arith.constant 128 : i32
    %dma_start3A_16 = arith.constant 0 : i32
    %dma_start3A_17 = tpu.memref_slice %arg6[%dma_start3A_15, %dma_start3A_16] : memref<256x128xf32, #tpu.memory_space<vmem>> -> memref<128x128xf32, #tpu.memory_space<vmem>>
    %dma_start3A_18 = arith.constant 0 : i32
    %dma_start3A_19 = tpu.memref_slice %arg5[%dma_start3A_14, %dma_start3A_18] : memref<2x128xi32, #tpu.memory_space<vmem>> -> memref<1x128xi32, #tpu.memory_space<vmem>>
    %dma_start3A_20 = tpu.memref_squeeze %dma_start3A_19 : memref<1x128xi32, #tpu.memory_space<vmem>> -> memref<128xi32, #tpu.memory_space<vmem>>
    %dma_start3A_21 = arith.constant 0 : i32
    %dma_start3A_22 = arith.constant 0 : i32
    %dma_start3A_23 = tpu.memref_slice %arg2[%dma_start3A_21, %dma_start3A_22] : memref<8192x128xf32, #tpu.memory_space<hbm>> -> memref<8192x128xf32, #tpu.memory_space<hbm>>
    tpu.enqueue_indirect_dma source(%dma_start3A_23 : memref<8192x128xf32, #tpu.memory_space<hbm>>) target(%dma_start3A_17 : memref<128x128xf32, #tpu.memory_space<vmem>>) offsets(%dma_start3A_20 : memref<128xi32, #tpu.memory_space<vmem>>) semaphore(%arg7 : memref<!tpu.dma_semaphore, #tpu.memory_space<semaphore_mem>>)
    %dma_wait3A = arith.constant 0 : i32
    %dma_wait3A_24 = arith.constant 0 : i32
    %dma_wait3A_25 = arith.constant 0 : i32
    %dma_wait3A_26 = tpu.memref_slice %arg6[%dma_wait3A_24, %dma_wait3A_25] : memref<256x128xf32, #tpu.memory_space<vmem>> -> memref<128x128xf32, #tpu.memory_space<vmem>>
    %dma_wait3A_27 = arith.constant 0 : i32
    %dma_wait3A_28 = tpu.memref_slice %arg5[%dma_wait3A, %dma_wait3A_27] : memref<2x128xi32, #tpu.memory_space<vmem>> -> memref<1x128xi32, #tpu.memory_space<vmem>>
    %dma_wait3A_29 = tpu.memref_squeeze %dma_wait3A_28 : memref<1x128xi32, #tpu.memory_space<vmem>> -> memref<128xi32, #tpu.memory_space<vmem>>
    %dma_wait3A_30 = arith.constant 0 : i32
    %dma_wait3A_31 = arith.constant 0 : i32
    %dma_wait3A_32 = tpu.memref_slice %arg2[%dma_wait3A_30, %dma_wait3A_31] : memref<8192x128xf32, #tpu.memory_space<hbm>> -> memref<8192x128xf32, #tpu.memory_space<hbm>>
    tpu.wait_indirect_dma semaphore(%arg7 : memref<!tpu.dma_semaphore, #tpu.memory_space<semaphore_mem>>) src(%dma_wait3A_32 : memref<8192x128xf32, #tpu.memory_space<hbm>>) dst(%dma_wait3A_26 : memref<128x128xf32, #tpu.memory_space<vmem>>)
    %dma_wait3A_33 = arith.constant 1 : i32
    %dma_wait3A_34 = arith.constant 128 : i32
    %dma_wait3A_35 = arith.constant 0 : i32
    %dma_wait3A_36 = tpu.memref_slice %arg6[%dma_wait3A_34, %dma_wait3A_35] : memref<256x128xf32, #tpu.memory_space<vmem>> -> memref<128x128xf32, #tpu.memory_space<vmem>>
    %dma_wait3A_37 = arith.constant 0 : i32
    %dma_wait3A_38 = tpu.memref_slice %arg5[%dma_wait3A_33, %dma_wait3A_37] : memref<2x128xi32, #tpu.memory_space<vmem>> -> memref<1x128xi32, #tpu.memory_space<vmem>>
    %dma_wait3A_39 = tpu.memref_squeeze %dma_wait3A_38 : memref<1x128xi32, #tpu.memory_space<vmem>> -> memref<128xi32, #tpu.memory_space<vmem>>
    %dma_wait3A_40 = arith.constant 0 : i32
    %dma_wait3A_41 = arith.constant 0 : i32
    %dma_wait3A_42 = tpu.memref_slice %arg2[%dma_wait3A_40, %dma_wait3A_41] : memref<8192x128xf32, #tpu.memory_space<hbm>> -> memref<8192x128xf32, #tpu.memory_space<hbm>>
    tpu.wait_indirect_dma semaphore(%arg7 : memref<!tpu.dma_semaphore, #tpu.memory_space<semaphore_mem>>) src(%dma_wait3A_42 : memref<8192x128xf32, #tpu.memory_space<hbm>>) dst(%dma_wait3A_36 : memref<128x128xf32, #tpu.memory_space<vmem>>)
    "tpu.region"() ({
      %run_scoped3A = tpu.sem_alloc : memref<!tpu.dma_semaphore, #tpu.memory_space<semaphore_mem>>
      %dma_start3A_43 = arith.constant 0 : i32
      %dma_start3A_44 = tpu.memref_slice %arg4[%mul3A_2, %dma_start3A_43] : memref<8192x128xf32, #tpu.memory_space<hbm>> -> memref<256x128xf32, #tpu.memory_space<hbm>>
      %dma_start3A_45 = arith.constant 0 : i32
      %dma_start3A_46 = tpu.memref_slice %arg4[%mul3A_2, %dma_start3A_45] : memref<8192x128xf32, #tpu.memory_space<hbm>> -> memref<256x128xf32, #tpu.memory_space<hbm>>
      tpu.enqueue_dma source(%arg6 : memref<256x128xf32, #tpu.memory_space<vmem>>) target(%dma_start3A_46 : memref<256x128xf32, #tpu.memory_space<hbm>>) target_semaphore(%run_scoped3A : memref<!tpu.dma_semaphore, #tpu.memory_space<semaphore_mem>>)
      %dma_wait3A_47 = arith.constant 0 : i32
      %dma_wait3A_48 = tpu.memref_slice %arg4[%mul3A_2, %dma_wait3A_47] : memref<8192x128xf32, #tpu.memory_space<hbm>> -> memref<256x128xf32, #tpu.memory_space<hbm>>
      %dma_wait3A_49 = arith.constant 0 : i32
      %dma_wait3A_50 = tpu.memref_slice %arg4[%mul3A_2, %dma_wait3A_49] : memref<8192x128xf32, #tpu.memory_space<hbm>> -> memref<256x128xf32, #tpu.memory_space<hbm>>
      tpu.wait_dma2 semaphore(%run_scoped3A : memref<!tpu.dma_semaphore, #tpu.memory_space<semaphore_mem>>) src(%arg6 : memref<256x128xf32, #tpu.memory_space<vmem>>) dst(%dma_wait3A_50 : memref<256x128xf32, #tpu.memory_space<hbm>>)
      tpu.yield
    }) : () -> ()
    return
  }
}

module attributes {stable_mosaic.version = 14 : i64} {
  func.func @_enc_body(%arg0: i32, %arg1: memref<1024x768xbf16, #tpu.memory_space<vmem>>, %arg2: memref<768x1024xbf16, #tpu.memory_space<vmem>>, %arg3: memref<1x1024xf32, #tpu.memory_space<vmem>>, %arg4: memref<1024x512xbf16, #tpu.memory_space<vmem>>, %arg5: memref<1x512xf32, #tpu.memory_space<vmem>>, %arg6: memref<512x64xbf16, #tpu.memory_space<vmem>>, %arg7: memref<1x64xf32, #tpu.memory_space<vmem>>, %arg8: memref<1024x64xf32, #tpu.memory_space<vmem>>) attributes {dimension_semantics = [#tpu.dimension_semantics<arbitrary>], iteration_bounds = array<i64: 8>, scalar_prefetch = 0 : i64, scratch_operands = 0 : i64, tpu.core_type = #tpu.core_type<tc>, window_params = [{transform_indices = @transform_0, window_bounds = array<i64: 1024, 768>}, {pipeline_mode = #tpu.pipeline_mode<synchronous>, transform_indices = @transform_1, window_bounds = array<i64: 768, 1024>}, {pipeline_mode = #tpu.pipeline_mode<synchronous>, transform_indices = @transform_2, window_bounds = array<i64: 1, 1024>}, {pipeline_mode = #tpu.pipeline_mode<synchronous>, transform_indices = @transform_3, window_bounds = array<i64: 1024, 512>}, {pipeline_mode = #tpu.pipeline_mode<synchronous>, transform_indices = @transform_4, window_bounds = array<i64: 1, 512>}, {pipeline_mode = #tpu.pipeline_mode<synchronous>, transform_indices = @transform_5, window_bounds = array<i64: 512, 64>}, {pipeline_mode = #tpu.pipeline_mode<synchronous>, transform_indices = @transform_6, window_bounds = array<i64: 1, 64>}, {transform_indices = @transform_7, window_bounds = array<i64: 1024, 64>}]} {
    %get3A = arith.constant 0 : index
    %get3A_0 = arith.constant 0 : index
    %get3A_1 = vector.load %arg1[%get3A, %get3A_0] : memref<1024x768xbf16, #tpu.memory_space<vmem>>, vector<1024x768xbf16>
    %get3A_2 = arith.constant 0 : index
    %get3A_3 = arith.constant 0 : index
    %get3A_4 = vector.load %arg2[%get3A_2, %get3A_3] : memref<768x1024xbf16, #tpu.memory_space<vmem>>, vector<768x1024xbf16>
    %dot_general3A = arith.constant dense<0.000000e+00> : vector<1024x1024xf32>
    %dot_general3A_5 = tpu.matmul %get3A_1, %get3A_4, %dot_general3A {dimension_numbers = #tpu.dot_dimension_numbers<[1], [0], [0], [1], [0, 0, 1, 1], [], []>, transpose_lhs_hint = false} : vector<1024x768xbf16>, vector<768x1024xbf16>, vector<1024x1024xf32> -> vector<1024x1024xf32>
    %get3A_6 = arith.constant 0 : index
    %get3A_7 = arith.constant 0 : index
    %get3A_8 = vector.load %arg3[%get3A_6, %get3A_7] : memref<1x1024xf32, #tpu.memory_space<vmem>>, vector<1x1024xf32>
    %add3A = vector.broadcast %get3A_8 : vector<1x1024xf32> to vector<1024x1024xf32>
    %add3A_9 = arith.addf %dot_general3A_5, %add3A : vector<1024x1024xf32>
    %max3A = arith.constant 0.000000e+00 : f32
    %max3A_10 = vector.broadcast %max3A : f32 to vector<1024x1024xf32>
    %max3A_11 = arith.maximumf %add3A_9, %max3A_10 : vector<1024x1024xf32>
    %convert_element_type3A = arith.truncf %max3A_11 : vector<1024x1024xf32> to vector<1024x1024xbf16>
    %get3A_12 = arith.constant 0 : index
    %get3A_13 = arith.constant 0 : index
    %get3A_14 = vector.load %arg4[%get3A_12, %get3A_13] : memref<1024x512xbf16, #tpu.memory_space<vmem>>, vector<1024x512xbf16>
    %dot_general3A_15 = arith.constant dense<0.000000e+00> : vector<1024x512xf32>
    %dot_general3A_16 = tpu.matmul %convert_element_type3A, %get3A_14, %dot_general3A_15 {dimension_numbers = #tpu.dot_dimension_numbers<[1], [0], [0], [1], [0, 0, 1, 1], [], []>, transpose_lhs_hint = false} : vector<1024x1024xbf16>, vector<1024x512xbf16>, vector<1024x512xf32> -> vector<1024x512xf32>
    %get3A_17 = arith.constant 0 : index
    %get3A_18 = arith.constant 0 : index
    %get3A_19 = vector.load %arg5[%get3A_17, %get3A_18] : memref<1x512xf32, #tpu.memory_space<vmem>>, vector<1x512xf32>
    %add3A_20 = vector.broadcast %get3A_19 : vector<1x512xf32> to vector<1024x512xf32>
    %add3A_21 = arith.addf %dot_general3A_16, %add3A_20 : vector<1024x512xf32>
    %max3A_22 = arith.constant 0.000000e+00 : f32
    %max3A_23 = vector.broadcast %max3A_22 : f32 to vector<1024x512xf32>
    %max3A_24 = arith.maximumf %add3A_21, %max3A_23 : vector<1024x512xf32>
    %convert_element_type3A_25 = arith.truncf %max3A_24 : vector<1024x512xf32> to vector<1024x512xbf16>
    %get3A_26 = arith.constant 0 : index
    %get3A_27 = arith.constant 0 : index
    %get3A_28 = vector.load %arg6[%get3A_26, %get3A_27] : memref<512x64xbf16, #tpu.memory_space<vmem>>, vector<512x64xbf16>
    %dot_general3A_29 = arith.constant dense<0.000000e+00> : vector<1024x64xf32>
    %dot_general3A_30 = tpu.matmul %convert_element_type3A_25, %get3A_28, %dot_general3A_29 {dimension_numbers = #tpu.dot_dimension_numbers<[1], [0], [0], [1], [0, 0, 1, 1], [], []>, transpose_lhs_hint = false} : vector<1024x512xbf16>, vector<512x64xbf16>, vector<1024x64xf32> -> vector<1024x64xf32>
    %get3A_31 = arith.constant 0 : index
    %get3A_32 = arith.constant 0 : index
    %get3A_33 = vector.load %arg7[%get3A_31, %get3A_32] : memref<1x64xf32, #tpu.memory_space<vmem>>, vector<1x64xf32>
    %add3A_34 = vector.broadcast %get3A_33 : vector<1x64xf32> to vector<1024x64xf32>
    %add3A_35 = arith.addf %dot_general3A_30, %add3A_34 : vector<1024x64xf32>
    %swap3A = arith.constant 0 : index
    %swap3A_36 = arith.constant 0 : index
    %swap3A_37 = vector.load %arg8[%swap3A, %swap3A_36] : memref<1024x64xf32, #tpu.memory_space<vmem>>, vector<1024x64xf32>
    tpu.vector_store %arg8[%swap3A, %swap3A_36], %add3A_35 {strides = array<i32>} : memref<1024x64xf32, #tpu.memory_space<vmem>>, vector<1024x64xf32>,
    return
  }
  func.func @transform_0(%arg0: i32) -> (i32, i32) {
    %c0_i32 = arith.constant 0 : i32
    %c0_i32_0 = arith.constant 0 : i32
    return %arg0, %c0_i32 : i32, i32
  }
  func.func @transform_1(%arg0: i32) -> (i32, i32) {
    %c0_i32 = arith.constant 0 : i32
    %c0_i32_0 = arith.constant 0 : i32
    %c0_i32_1 = arith.constant 0 : i32
    return %c0_i32, %c0_i32_0 : i32, i32
  }
  func.func @transform_2(%arg0: i32) -> (i32, i32) {
    %c0_i32 = arith.constant 0 : i32
    %c0_i32_0 = arith.constant 0 : i32
    %c0_i32_1 = arith.constant 0 : i32
    return %c0_i32, %c0_i32_0 : i32, i32
  }
  func.func @transform_3(%arg0: i32) -> (i32, i32) {
    %c0_i32 = arith.constant 0 : i32
    %c0_i32_0 = arith.constant 0 : i32
    %c0_i32_1 = arith.constant 0 : i32
    return %c0_i32, %c0_i32_0 : i32, i32
  }
  func.func @transform_4(%arg0: i32) -> (i32, i32) {
    %c0_i32 = arith.constant 0 : i32
    %c0_i32_0 = arith.constant 0 : i32
    %c0_i32_1 = arith.constant 0 : i32
    return %c0_i32, %c0_i32_0 : i32, i32
  }
  func.func @transform_5(%arg0: i32) -> (i32, i32) {
    %c0_i32 = arith.constant 0 : i32
    %c0_i32_0 = arith.constant 0 : i32
    %c0_i32_1 = arith.constant 0 : i32
    return %c0_i32, %c0_i32_0 : i32, i32
  }
  func.func @transform_6(%arg0: i32) -> (i32, i32) {
    %c0_i32 = arith.constant 0 : i32
    %c0_i32_0 = arith.constant 0 : i32
    %c0_i32_1 = arith.constant 0 : i32
    return %c0_i32, %c0_i32_0 : i32, i32
  }
  func.func @transform_7(%arg0: i32) -> (i32, i32) {
    %c0_i32 = arith.constant 0 : i32
    %c0_i32_0 = arith.constant 0 : i32
    return %arg0, %c0_i32 : i32, i32
  }
}

module attributes {stable_mosaic.version = 14 : i64} {
  func.func @_dec_body(%arg0: i32, %arg1: memref<1024x64xf32, #tpu.memory_space<vmem>>, %arg2: memref<1024x128xf32, #tpu.memory_space<vmem>>, %arg3: memref<64x512xbf16, #tpu.memory_space<vmem>>, %arg4: memref<1x512xf32, #tpu.memory_space<vmem>>, %arg5: memref<512x1024xbf16, #tpu.memory_space<vmem>>, %arg6: memref<1x1024xf32, #tpu.memory_space<vmem>>, %arg7: memref<1024x768xbf16, #tpu.memory_space<vmem>>, %arg8: memref<1x768xf32, #tpu.memory_space<vmem>>, %arg9: memref<1024x768xf32, #tpu.memory_space<vmem>>, %arg10: memref<1024x64xf32, #tpu.memory_space<vmem>>, %arg11: memref<1x1x64xf32, #tpu.memory_space<vmem>>) attributes {dimension_semantics = [#tpu.dimension_semantics<arbitrary>], iteration_bounds = array<i64: 8>, scalar_prefetch = 0 : i64, scratch_operands = 0 : i64, tpu.core_type = #tpu.core_type<tc>, window_params = [{transform_indices = @transform_0, window_bounds = array<i64: 1024, 64>}, {transform_indices = @transform_1, window_bounds = array<i64: 1024, 128>}, {pipeline_mode = #tpu.pipeline_mode<synchronous>, transform_indices = @transform_2, window_bounds = array<i64: 64, 512>}, {pipeline_mode = #tpu.pipeline_mode<synchronous>, transform_indices = @transform_3, window_bounds = array<i64: 1, 512>}, {pipeline_mode = #tpu.pipeline_mode<synchronous>, transform_indices = @transform_4, window_bounds = array<i64: 512, 1024>}, {pipeline_mode = #tpu.pipeline_mode<synchronous>, transform_indices = @transform_5, window_bounds = array<i64: 1, 1024>}, {pipeline_mode = #tpu.pipeline_mode<synchronous>, transform_indices = @transform_6, window_bounds = array<i64: 1024, 768>}, {pipeline_mode = #tpu.pipeline_mode<synchronous>, transform_indices = @transform_7, window_bounds = array<i64: 1, 768>}, {transform_indices = @transform_8, window_bounds = array<i64: 1024, 768>}, {transform_indices = @transform_9, window_bounds = array<i64: 1024, 64>}, {transform_indices = @transform_10, window_bounds = array<i64: 1, 1, 64>}]} {
    %get3A = arith.constant 0 : index
    %get3A_0 = arith.constant 0 : index
    %get3A_1 = vector.load %arg1[%get3A, %get3A_0] : memref<1024x64xf32, #tpu.memory_space<vmem>>, vector<1024x64xf32>
    %get3A_2 = arith.constant 0 : index
    %get3A_3 = arith.constant 0 : index
    %get3A_4 = vector.load %arg2[%get3A_2, %get3A_3] : memref<1024x128xf32, #tpu.memory_space<vmem>>, vector<1024x64xf32>
    %sub3A = arith.subf %get3A_4, %get3A_1 : vector<1024x64xf32>
    %add3A = arith.addf %get3A_1, %sub3A : vector<1024x64xf32>
    %swap3A = arith.constant 0 : index
    %swap3A_5 = arith.constant 0 : index
    %swap3A_6 = vector.load %arg10[%swap3A, %swap3A_5] : memref<1024x64xf32, #tpu.memory_space<vmem>>, vector<1024x64xf32>
    tpu.vector_store %arg10[%swap3A, %swap3A_5], %add3A {strides = array<i32>} : memref<1024x64xf32, #tpu.memory_space<vmem>>, vector<1024x64xf32>,
    %mul3A = arith.mulf %sub3A, %sub3A : vector<1024x64xf32>
    %reduce_sum3A = arith.constant dense<0.000000e+00> : vector<64xf32>
    %reduce_sum3A_7 = vector.multi_reduction <add>, %mul3A, %reduce_sum3A [0] : vector<1024x64xf32> to vector<64xf32>
    %broadcast_in_dim3A = vector.shape_cast %reduce_sum3A_7 : vector<64xf32> to vector<1x64xf32>
    %broadcast_in_dim3A_8 = vector.shape_cast %broadcast_in_dim3A : vector<1x64xf32> to vector<1x1x64xf32>
    %swap3A_9 = arith.constant 0 : index
    %swap3A_10 = arith.constant 0 : index
    %swap3A_11 = arith.constant 0 : index
    %swap3A_12 = vector.load %arg11[%swap3A_9, %swap3A_10, %swap3A_11] : memref<1x1x64xf32, #tpu.memory_space<vmem>>, vector<1x1x64xf32>
    tpu.vector_store %arg11[%swap3A_9, %swap3A_10, %swap3A_11], %broadcast_in_dim3A_8 {strides = array<i32>} : memref<1x1x64xf32, #tpu.memory_space<vmem>>, vector<1x1x64xf32>,
    %convert_element_type3A = arith.truncf %add3A : vector<1024x64xf32> to vector<1024x64xbf16>
    %get3A_13 = arith.constant 0 : index
    %get3A_14 = arith.constant 0 : index
    %get3A_15 = vector.load %arg3[%get3A_13, %get3A_14] : memref<64x512xbf16, #tpu.memory_space<vmem>>, vector<64x512xbf16>
    %dot_general3A = arith.constant dense<0.000000e+00> : vector<1024x512xf32>
    %dot_general3A_16 = tpu.matmul %convert_element_type3A, %get3A_15, %dot_general3A {dimension_numbers = #tpu.dot_dimension_numbers<[1], [0], [0], [1], [0, 0, 1, 1], [], []>, transpose_lhs_hint = false} : vector<1024x64xbf16>, vector<64x512xbf16>, vector<1024x512xf32> -> vector<1024x512xf32>
    %get3A_17 = arith.constant 0 : index
    %get3A_18 = arith.constant 0 : index
    %get3A_19 = vector.load %arg4[%get3A_17, %get3A_18] : memref<1x512xf32, #tpu.memory_space<vmem>>, vector<1x512xf32>
    %add3A_20 = vector.broadcast %get3A_19 : vector<1x512xf32> to vector<1024x512xf32>
    %add3A_21 = arith.addf %dot_general3A_16, %add3A_20 : vector<1024x512xf32>
    %max3A = arith.constant 0.000000e+00 : f32
    %max3A_22 = vector.broadcast %max3A : f32 to vector<1024x512xf32>
    %max3A_23 = arith.maximumf %add3A_21, %max3A_22 : vector<1024x512xf32>
    %convert_element_type3A_24 = arith.truncf %max3A_23 : vector<1024x512xf32> to vector<1024x512xbf16>
    %get3A_25 = arith.constant 0 : index
    %get3A_26 = arith.constant 0 : index
    %get3A_27 = vector.load %arg5[%get3A_25, %get3A_26] : memref<512x1024xbf16, #tpu.memory_space<vmem>>, vector<512x1024xbf16>
    %dot_general3A_28 = arith.constant dense<0.000000e+00> : vector<1024x1024xf32>
    %dot_general3A_29 = tpu.matmul %convert_element_type3A_24, %get3A_27, %dot_general3A_28 {dimension_numbers = #tpu.dot_dimension_numbers<[1], [0], [0], [1], [0, 0, 1, 1], [], []>, transpose_lhs_hint = false} : vector<1024x512xbf16>, vector<512x1024xbf16>, vector<1024x1024xf32> -> vector<1024x1024xf32>
    %get3A_30 = arith.constant 0 : index
    %get3A_31 = arith.constant 0 : index
    %get3A_32 = vector.load %arg6[%get3A_30, %get3A_31] : memref<1x1024xf32, #tpu.memory_space<vmem>>, vector<1x1024xf32>
    %add3A_33 = vector.broadcast %get3A_32 : vector<1x1024xf32> to vector<1024x1024xf32>
    %add3A_34 = arith.addf %dot_general3A_29, %add3A_33 : vector<1024x1024xf32>
    %max3A_35 = arith.constant 0.000000e+00 : f32
    %max3A_36 = vector.broadcast %max3A_35 : f32 to vector<1024x1024xf32>
    %max3A_37 = arith.maximumf %add3A_34, %max3A_36 : vector<1024x1024xf32>
    %convert_element_type3A_38 = arith.truncf %max3A_37 : vector<1024x1024xf32> to vector<1024x1024xbf16>
    %get3A_39 = arith.constant 0 : index
    %get3A_40 = arith.constant 0 : index
    %get3A_41 = vector.load %arg7[%get3A_39, %get3A_40] : memref<1024x768xbf16, #tpu.memory_space<vmem>>, vector<1024x768xbf16>
    %dot_general3A_42 = arith.constant dense<0.000000e+00> : vector<1024x768xf32>
    %dot_general3A_43 = tpu.matmul %convert_element_type3A_38, %get3A_41, %dot_general3A_42 {dimension_numbers = #tpu.dot_dimension_numbers<[1], [0], [0], [1], [0, 0, 1, 1], [], []>, transpose_lhs_hint = false} : vector<1024x1024xbf16>, vector<1024x768xbf16>, vector<1024x768xf32> -> vector<1024x768xf32>
    %get3A_44 = arith.constant 0 : index
    %get3A_45 = arith.constant 0 : index
    %get3A_46 = vector.load %arg8[%get3A_44, %get3A_45] : memref<1x768xf32, #tpu.memory_space<vmem>>, vector<1x768xf32>
    %add3A_47 = vector.broadcast %get3A_46 : vector<1x768xf32> to vector<1024x768xf32>
    %add3A_48 = arith.addf %dot_general3A_43, %add3A_47 : vector<1024x768xf32>
    %swap3A_49 = arith.constant 0 : index
    %swap3A_50 = arith.constant 0 : index
    %swap3A_51 = vector.load %arg9[%swap3A_49, %swap3A_50] : memref<1024x768xf32, #tpu.memory_space<vmem>>, vector<1024x768xf32>
    tpu.vector_store %arg9[%swap3A_49, %swap3A_50], %add3A_48 {strides = array<i32>} : memref<1024x768xf32, #tpu.memory_space<vmem>>, vector<1024x768xf32>,
    return
  }
  func.func @transform_0(%arg0: i32) -> (i32, i32) {
    %c0_i32 = arith.constant 0 : i32
    %c0_i32_0 = arith.constant 0 : i32
    return %arg0, %c0_i32 : i32, i32
  }
  func.func @transform_1(%arg0: i32) -> (i32, i32) {
    %c0_i32 = arith.constant 0 : i32
    %c0_i32_0 = arith.constant 0 : i32
    return %arg0, %c0_i32 : i32, i32
  }
  func.func @transform_2(%arg0: i32) -> (i32, i32) {
    %c0_i32 = arith.constant 0 : i32
    %c0_i32_0 = arith.constant 0 : i32
    %c0_i32_1 = arith.constant 0 : i32
    return %c0_i32, %c0_i32_0 : i32, i32
  }
  func.func @transform_3(%arg0: i32) -> (i32, i32) {
    %c0_i32 = arith.constant 0 : i32
    %c0_i32_0 = arith.constant 0 : i32
    %c0_i32_1 = arith.constant 0 : i32
    return %c0_i32, %c0_i32_0 : i32, i32
  }
  func.func @transform_4(%arg0: i32) -> (i32, i32) {
    %c0_i32 = arith.constant 0 : i32
    %c0_i32_0 = arith.constant 0 : i32
    %c0_i32_1 = arith.constant 0 : i32
    return %c0_i32, %c0_i32_0 : i32, i32
  }
  func.func @transform_5(%arg0: i32) -> (i32, i32) {
    %c0_i32 = arith.constant 0 : i32
    %c0_i32_0 = arith.constant 0 : i32
    %c0_i32_1 = arith.constant 0 : i32
    return %c0_i32, %c0_i32_0 : i32, i32
  }
  func.func @transform_6(%arg0: i32) -> (i32, i32) {
    %c0_i32 = arith.constant 0 : i32
    %c0_i32_0 = arith.constant 0 : i32
    %c0_i32_1 = arith.constant 0 : i32
    return %c0_i32, %c0_i32_0 : i32, i32
  }
  func.func @transform_7(%arg0: i32) -> (i32, i32) {
    %c0_i32 = arith.constant 0 : i32
    %c0_i32_0 = arith.constant 0 : i32
    %c0_i32_1 = arith.constant 0 : i32
    return %c0_i32, %c0_i32_0 : i32, i32
  }
  func.func @transform_8(%arg0: i32) -> (i32, i32) {
    %c0_i32 = arith.constant 0 : i32
    %c0_i32_0 = arith.constant 0 : i32
    return %arg0, %c0_i32 : i32, i32
  }
  func.func @transform_9(%arg0: i32) -> (i32, i32) {
    %c0_i32 = arith.constant 0 : i32
    %c0_i32_0 = arith.constant 0 : i32
    return %arg0, %c0_i32 : i32, i32
  }
  func.func @transform_10(%arg0: i32) -> (i32, i32, i32) {
    %c0_i32 = arith.constant 0 : i32
    %c0_i32_0 = arith.constant 0 : i32
    %c0_i32_1 = arith.constant 0 : i32
    return %arg0, %c0_i32, %c0_i32_0 : i32, i32, i32
  }
}

</mosaic_0001>

<sc_bundles>
// kernel: kernel.5.cloned.1.call-start
scs
__scs_entry_jumppad:
0x0: {  	(pc) =	sbr.rel $0x88, $3  }
0x1: {  	(tag) =	ssettag $0x0;
	lr =	simm.s32 $0x1  }
0x2: {  	[smem:$0x3F93] =	sst lr;
	_ =	strace $0xD0000000  }
0x3: {  	_ = 	snop  }
0x4: {  	_ = 	snop  }
0x5: {  	_ = 	snop  }
0x6: {  	_ = 	snop  }
0x7: {  	_ = 	snop  }
__scs_overlays_trampoline_lowered:
0x8: {  	[smem:$0x3FA2] =	sst s0  }
0x9: {  	[smem:$0x3FA3] =	sst s1  }
0xa: {  	[smem:$0x3FA4] =	sst s2  }
0xb: {  	[smem:$0x3FA5] =	sst s3  }
0xc: {  	[smem:$0x3FA6] =	sst s4  }
0xd: {  	[smem:$0x3FA7] =	sst s5  }
0xe: {  	[smem:$0x3FA8] =	sst s6  }
0xf: {  	[smem:$0x3FA9] =	sst s7  }
0x10: {  	[smem:$0x3FAA] =	sst s8  }
0x11: {  	[smem:$0x3FAB] =	sst s9;
	s0 =	simm.s32 @!p0 $0x0  }
0x12: {  	s1 =	sld [smem:$0x3F91];
	s0 =	simm.s32 @p0 $0x1  }
0x13: {  	[smem:$0x3FAC] =	sst s0;
	s0 =	simm.s32 @!p1 $0x0  }
0x14: {  	s2 =	sld [smem:$0x3F90];
	s0 =	simm.s32 @p1 $0x1  }
0x15: {  	[smem:$0x3FAD] =	sst s0;
	s0 =	simm.s32 @!p2 $0x0  }
0x16: {  	s3 =	sld [smem:$0x3FDB];
	s0 =	simm.s32 @p2 $0x1  }
0x17: {  	s4 =	simm.s32 $0x1BF5;
	[smem:$0x3FAF] =	sst s0  }
0x18: {  	s0 =	sld [smem:$0x3F92];
	_ =	swait.ge [sflag:s4], $0x0  }
0x19: {  	s7 =	sld [smem:$0x3F93]  }
0x1a: {  	s8 =	sadd.s32 $0xFFFFE003, lr  }
0x1b: {  	s9 =	sadd.s32 $0xFFFFFEF7, lr;
	s5 =	simm.s32 $0xFFFFFFFF;
	p2 =	slt.u32 s8, $0xFFFFF086  }
0x1c: {  	p1 =	slt.u32 s9, $0xF7A;
	s5 =	simm.s32 @!p2 $0x0  }
0x1d: {  	s5 =	simm.s32 @p1 $0x1;
	p0 =	seq.s32 s7, s2  }
0x1e: {  	s7 =	smul.u32 @!p0 $0xF7A, s2;
	p2 =	seq.s32 @!p0 s5, $0x0  }
0x1f: {  	s9 =	smul.u32 $0xF7A, s1;
	s8 =	simm.s32 @!p0 $0x1BF5;
	p2 =	por !p2, p0  }
0x20: {  	[sflag:s8] =	ssyncset.s32 @!p0 $0xFFFFF086;
	s6 =	sadd.s32 @!p0 s3, s7;
	s7 =	simm.s32 @!p0 $0x108  }
0x21: {  	s3 =	sadd.s32 s3, s9;
	s6 =	sadd.s32 @!p0 $0x88, s6;
	s7 =	simm.s32 @p2 $0x1082  }
0x22: {  	[simem:s7], [sflag:s8] =	dma.local @!p0 [hbm:s6], $0xF7A  }
0x23: {  	s9 =	sor.u32 $0xD0000000, s2;
	s6 =	simm.s32 $0x108;
	_ =	swait.ge @!p0 [sflag:s8], $0x0  }
0x24: {  	s3 =	sadd.s32 $0x88, s3;
	s6 =	simm.s32 @!p1 $0x1082;
	[sflag:s4] =	ssyncset.s32 $0xFFFFF086  }
0x25: {  	[simem:s6], [sflag:s4] =	dma.local [hbm:s3], $0xF7A  }
0x26: {  	[smem:$0x3F93] =	sst s1;
	(tag) =	ssettag s2;
	_ =	strace s9  }
0x27: {  	s1 =	sld [smem:$0x3FA3]  }
0x28: {  	s2 =	sld [smem:$0x3FA4]  }
0x29: {  	s4 =	sld [smem:$0x3FA6]  }
0x2a: {  	p0 =	seq.s32 s5, $0x0;
	s5 =	sld [smem:$0x3FA7]  }
0x2b: {  	s6 =	sld [smem:$0x3FA8]  }
0x2c: {  	s7 =	sld [smem:$0x3FA9]  }
0x2d: {  	s3 =	simm.s32 $0x108;
	s8 =	sld [smem:$0x3FAA]  }
0x2e: {  	s3 =	simm.s32 @!p0 $0x1082;
	s9 =	sld [smem:$0x3FAB]  }
0x2f: {  	lr =	sadd.s32 s0, s3;
	s0 =	sld [smem:$0x3FA2]  }
0x30: {  	s3 =	sld [smem:$0x3FA5]  }
0x31: {  	[smem:$0x3FAE] =	sst s10  }
0x32: {  	s10 =	sld [smem:$0x3FAC];
	_ =	sdelay $0x3  }
0x33: {  	p0 =	seq.s32 s10, $0x1;
	s10 =	sld [smem:$0x3FAE];
	_ =	sdelay $0x3  }
0x34: {  	[smem:$0x3FAE] =	sst s10  }
0x35: {  	s10 =	sld [smem:$0x3FAD];
	_ =	sdelay $0x3  }
0x36: {  	p1 =	seq.s32 s10, $0x1;
	s10 =	sld [smem:$0x3FAE];
	_ =	sdelay $0x3  }
0x37: {  	[smem:$0x3FAE] =	sst s10  }
0x38: {  	s10 =	sld [smem:$0x3FAF]  }
0x39: {  	_ = 	snop;
	(pc) =	sbr.ind lr, $3  }
0x3a: {  	_ = 	snop  }
0x3b: {  	_ = 	snop  }
0x3c: {  	p2 =	seq.s32 s10, $0x1;
	s10 =	sld [smem:$0x3FAE]  }
0x3d: {  	_ =	shalt  }
0x3e: {  	_ =	shalt  }
0x3f: {  	_ =	shalt  }
0x40: {  	_ =	shalt  }
0x41: {  	_ =	shalt  }
0x42: {  	_ =	shalt  }
0x43: {  	_ =	shalt  }
0x44: {  	_ =	shalt  }
0x45: {  	_ =	shalt  }
0x46: {  	_ =	shalt  }
0x47: {  	_ =	shalt  }
0x48: {  	_ =	shalt  }
0x49: {  	_ =	shalt  }
0x4a: {  	_ =	shalt  }
0x4b: {  	_ =	shalt  }
0x4c: {  	_ =	shalt  }
0x4d: {  	_ =	shalt  }
0x4e: {  	_ =	shalt  }
0x4f: {  	_ =	shalt  }
0x50: {  	_ =	shalt  }
0x51: {  	_ =	shalt  }
0x52: {  	_ =	shalt  }
0x53: {  	_ =	shalt  }
0x54: {  	_ =	shalt  }
0x55: {  	_ =	shalt  }
0x56: {  	_ =	shalt  }
0x57: {  	_ =	shalt  }
0x58: {  	_ =	shalt  }
0x59: {  	_ =	shalt  }
0x5a: {  	_ =	shalt  }
0x5b: {  	_ =	shalt  }
0x5c: {  	_ =	shalt  }
0x5d: {  	_ =	shalt  }
0x5e: {  	_ =	shalt  }
0x5f: {  	_ =	shalt  }
0x60: {  	_ =	shalt  }
0x61: {  	_ =	shalt  }
0x62: {  	_ =	shalt  }
0x63: {  	_ =	shalt  }
0x64: {  	_ =	shalt  }
0x65: {  	_ =	shalt  }
0x66: {  	_ =	shalt  }
0x67: {  	_ =	shalt  }
0x68: {  	_ =	shalt  }
0x69: {  	_ =	shalt  }
0x6a: {  	_ =	shalt  }
0x6b: {  	_ =	shalt  }
0x6c: {  	_ =	shalt  }
0x6d: {  	_ =	shalt  }
0x6e: {  	_ =	shalt  }
0x6f: {  	_ =	shalt  }
0x70: {  	_ =	shalt  }
0x71: {  	_ =	shalt  }
0x72: {  	_ =	shalt  }
0x73: {  	_ =	shalt  }
0x74: {  	_ =	shalt  }
0x75: {  	_ =	shalt  }
0x76: {  	_ =	shalt  }
0x77: {  	_ =	shalt  }
0x78: {  	_ =	shalt  }
0x79: {  	_ =	shalt  }
0x7a: {  	_ =	shalt  }
0x7b: {  	_ =	shalt  }
0x7c: {  	_ =	shalt  }
0x7d: {  	_ =	shalt  }
0x7e: {  	_ =	shalt  }
0x7f: {  	_ =	shalt  }
0x80: {  	_ =	shalt  }
0x81: {  	_ =	shalt  }
0x82: {  	_ =	shalt  }
0x83: {  	_ =	shalt  }
0x84: {  	_ =	shalt  }
0x85: {  	_ =	shalt  }
0x86: {  	_ =	shalt  }
0x87: {  	_ =	shalt  }
.Lfunc_end0:
.L_simem_size_0:
called_computation_lowered:
.L_overlay_start_0:
0x88: {  	s2 =	sld [smem:$0x3FD9]  }
0x89: {  	s3 =	sld [smem:$0x3FFE];
	_ =	sdelay $0x1  }
0x8a: {  	s1 =	srdreg.scid  }
0x8b: {  	s0 =	sand.u32 $0x1, s1  }
0x8c: {  	s14 =	sshll.u32 s0, $0xA;
	s2 =	sadd.s32 s3, s2  }
0x8d: {  	s2 =	sadd.s32 s2, s14  }
0x8e: {  	[smem:$0x3FBA] =	sst s2  }
0x8f: {  	_ = 	snop  }
0x90: {  	s2 =	sld [smem:$0x3FD0];
	_ =	sdelay $0x2  }
0x91: {  	s15 =	simm.s32 $0xA;
	s4 =	simm.s32 $0x10  }
0x92: {  	[smem:s4], [sflag:s15] =	dma.local [hbm:s2], $0x1  }
0x93: {  	_ =	swait.eq [sflag:s15], $0x1  }
0x94: {  	[sflag:s15] =	ssyncset.done $0x0  }
0x95: {  	s16 =	sld [smem:$0x10];
	[sflag:s15] =	ssyncadd.s32 $0xFFFFFFFF  }
0x96: {  	s17 =	sld [smem:$0x13];
	(tm) =	ssettm $0x1  }
0x97: {  	s18 =	sld [smem:$0x3FFB];
	_ =	sdelay $0x3  }
0x98: {  	_ =	strace s18  }
0x99: {  	s4 =	sld [smem:$0x3FFC];
	_ =	sdelay $0x3  }
0x9a: {  	_ =	strace s4  }
0x9b: {  	s4 =	sld [smem:$0x3FFD];
	_ =	sdelay $0x3  }
0x9c: {  	_ =	strace s4  }
0x9d: {  	_ =	strace $0x8FFFFFFF  }
0x9e: {  	s19 =	sld [smem:$0x3FDB];
	_ =	sdelay $0x1  }
0x9f: {  	s5 =	simm.s32 $_scs_section_size  }
0xa0: {  	s6 =	simm.s32 $_size__tile_overlayer_lowered;
	s7 =	simm.s32 $_tile_overlayer_lowered  }
0xa1: {  	s22 =	simm.s32 $0x1BFF;
	s21 =	sshll.u32 s7, $0x1;
	s4 =	sadd.s32 s5, s19  }
0xa2: {  	s8 =	simm.s32 $0x0;
	s20 =	sshll.u32 s6, $0x1;
	s6 =	sadd.s32 s21, s4  }
0xa3: {  	[timem:s8], [sflag:s22] =	dma.local [hbm:s6], s20  }
0xa4: {  	_ =	swait.ge [sflag:s22], s20  }
0xa5: {  	s5 =	ssub.s32 $0x0, s20;
	[sflag:s22] =	ssyncset.done $0x0  }
0xa6: {  	[sflag:s22] =	ssyncadd.s32 s5;
	_ =	sdelay $0x1  }
0xa7: {  	s23 =	simm.s32 $0x1B8B  }
0xa8: {  	_ =	swait.ge [sflag:s23], $0x1  }
0xa9: {  	[sflag:s23] =	ssyncset.done $0x0  }
0xaa: {  	s25 =	simm.s32 $0x1B8E;
	s24 =	sld [smem:$0x3FFE];
	[sflag:s23] =	ssyncadd.s32 $0xFFFFFFFF  }
0xab: {  	s26 =	simm.s32 $execute0_lowered;
	[smem:$0x3FD2] =	sst s25  }
0xac: {  	s6 =	sshll.u32 s26, $0x1;
	_ =	strace $0x80000046;
	[dreg:$0x1] =	wrdreg $0xFFFFFFFF  }
0xad: {  	s28 =	simm.s32 $_size_execute0_lowered;
	s4 =	sadd.s32 s4, s6;
	[dreg:$0x0] =	wrdreg $0x0  }
0xae: {  	s6 =	sshll.u32 s28, $0x1;
	[dreg:$0x2] =	wrdreg s4  }
0xaf: {  	[dreg:$0x3] =	wrdreg s6  }
0xb0: {  	[dreg:$0x4] =	wrdreg $0xC0  }
0xb1: {  	_ =	task [dreg:s8], $0x5FFFF  }
0xb2: {  	[dreg:$0x1] =	wrdreg $0xFFFFFFFF  }
0xb3: {  	[dreg:$0x0] =	wrdreg $0x60  }
0xb4: {  	[dreg:$0x2] =	wrdreg s16  }
0xb5: {  	[dreg:$0x3] =	wrdreg s17  }
0xb6: {  	[dreg:$0x4] =	wrdreg s24  }
0xb7: {  	[dreg:$0x5] =	wrdreg $0x9  }
0xb8: {  	_ =	task.clear_ibuf [dreg:s8], $0x6FFFF;
	_ =	strace $0x90000046  }
0xb9: {  	s29 =	simm.s32 $0x9;
	_ =	strace $0x80000048  }
0xba: {  	_ =	swait.ge [sflag:s29], $0x1  }
0xbb: {  	[sflag:s29] =	ssyncadd.s32 $0xFFFFFFFF  }
0xbc: {  	_ =	strace $0x90000048  }
0xbd: {  	_ =	sfence  }
0xbe: {  	s30 =	sld [smem:$0x0];
	_ =	sdelay $0x2  }
0xbf: {  	s31 =	sshll.u32 s1, $0xD;
	s1 =	sshrl.u32 s1, $0x2  }
0xc0: {  	s3 =	sand.u32 $0x4000, s31;
	s1 =	sadd.s32 s1, s30  }
0xc1: {  	s0 =	sor.u32 s3, s0;
	s1 =	sshll.u32 s1, $0x11  }
0xc2: {  	s0 =	sor.u32 s1, s0  }
0xc3: {  	s0 =	sadd.s32 $0x8F2B, s0  }
0xc4: {  	[sflag:s0] =	ssyncadd.remote.s32 $0x1  }
0xc5: {  	_ =	sfence.sel $0xFFFF  }
0xc6: {  	[dreg:$0x0] =	wrdreg $0xFFFFFFFF;
	(pc) =	sbr.abs _section_cstart, $3  }
0xc7: {  	[dreg:$0x1] =	wrdreg $0xFFFFFFFF  }
0xc8: {  	_ =	task.clear_ibuf [dreg:s8], $0x2FFFF;
	_ =	strace $0x9FFFFFFF  }
0xc9: {  	(tm) =	ssettm $0x7FFFFFFF  }
tec
execute0_lowered:
.L_overlay_start_1:
0x0: {  	(tag) =	ssettag $0x1  }
0x1: {  	s2 =	rddreg [dreg:$0x0]  }
0x2: {  	s4 =	rddreg [dreg:$0x1]  }
0x3: {  	s1 =	srdreg.scid;
	s0 =	stileid.u32  }
0x4: {  	s10 =	rddreg [dreg:$0x2];
	s11 =	sand.u32 $0x1, s1;
	s5 =	sshll.u32 s0, $0x1  }
0x5: {  	s3 =	simm.s32 $0x0;
	s1 =	rddreg [dreg:$0x3];
	s12 =	sor.u32 s11, s5  }
0x6: {  	[smem:$0x7FF] =	sst s3;
	s5 =	sshll.u32 s12, $0x5  }
0x7: {  	_ =	strace $0x80000047;
	s5 =	sadd.s32 s4, s5;
	s4 =	simm.s32 $0x2  }
0x8: {  	[tilespmem:s3], [sflag:$0x2] =	stream.linear.gather [hbm4b:s5+s3], $0x100, $0x38;
	[tilespmem:$0x8100] =	vst v63  }
0x9: {  	_ =	swait.ge [sflag:s4], $0x100  }
0xa: {  	[sflag:s4] =	ssyncset.done $0x0  }
0xb: {  	s6 =	simm.s32 $0x80;
	s7 =	simm.s32 $0x100;
	[sflag:s4] =	ssyncadd.s32 $0xFFFFFF00  }
0xc: {  	[tilespmem:s7], [sflag:$0x1] =	stream.indirect.gather [hbm4b:s2+s6], $0x80, s3, s6, $0xb8;
	[tilespmem:$0x8100] =	vst v63  }
0xd: {  	s8 =	simm.s32 $0x4100;
	s9 =	simm.s32 $0x1;
	s11 =	ssub.s32 $0x2, s11  }
0xe: {  	[tilespmem:s8], [sflag:$0x1] =	stream.indirect.gather [hbm4b:s2+s6], $0x80, s6, s6, $0xb8;
	[tilespmem:$0x8100] =	vst v63  }
0xf: {  	s13 =	sshrl.u32 s11, $0x1;
	_ =	swait.ge [sflag:s9], $0x4000  }
0x10: {  	s11 =	ssub.s32 s11, s13;
	[sflag:s9] =	ssyncset.done $0x0  }
0x11: {  	s11 =	smax.u32 s11, $0x1;
	[sflag:s9] =	ssyncadd.s32 $0xFFFFC000  }
0x12: {  	p0 =	sne.s32 s11, $0x1;
	_ =	swait.ge [sflag:s9], $0x4000  }
.Ltmp0:
0x13: {  	s12 =	sshll.u32 s12, $0xC;
	[sflag:s9] =	ssyncset.done $0x0;
	(pc) =	sbr.rel @!p0 .LBB2_2-.Ltmp0, $4  }
0x14: {  	s10 =	sadd.s32 s10, s12;
	[sflag:s9] =	ssyncadd.s32 $0xFFFFC000  }
0x15: {  	[hbm4b:s10+s3] =	stream.linear.scatter [tilespmem:s7], [sflag:$0x2], $0x8000, $0x38;
	[tilespmem:$0x8100] =	vst v63  }
0x16: {  	_ =	swait.ge [sflag:s4], $0x8000  }
0x17: {  	s11 =	sadd.s32 $0xFFFFFFFF, s11;
	[sflag:s4] =	ssyncset.done $0x0  }
.LBB2_1:
0x18: {  	p0 =	sne.s32 s11, $0x1;
	s11 =	sadd.s32 $0xFFFFFFFF, s11;
	[sflag:s4] =	ssyncadd.s32 $0xFFFF8000  }
0x19: {  	[tilespmem:s3], [sflag:$0x2] =	stream.linear.gather [hbm4b:s5+s3], $0x100, $0x38;
	[tilespmem:$0x8100] =	vst v63  }
0x1a: {  	_ =	swait.ge [sflag:s4], $0x100  }
0x1b: {  	[sflag:s4] =	ssyncset.done $0x0  }
0x1c: {  	[sflag:s4] =	ssyncadd.s32 $0xFFFFFF00  }
0x1d: {  	[tilespmem:s7], [sflag:$0x1] =	stream.indirect.gather [hbm4b:s2+s6], $0x80, s3, s6, $0xb8;
	[tilespmem:$0x8100] =	vst v63  }
0x1e: {  	_ = 	snop  }
0x1f: {  	[tilespmem:s8], [sflag:$0x1] =	stream.indirect.gather [hbm4b:s2+s6], $0x80, s6, s6, $0xb8;
	[tilespmem:$0x8100] =	vst v63  }
0x20: {  	_ =	swait.ge [sflag:s9], $0x4000  }
0x21: {  	[sflag:s9] =	ssyncset.done $0x0  }
0x22: {  	[sflag:s9] =	ssyncadd.s32 $0xFFFFC000  }
0x23: {  	_ =	swait.ge [sflag:s9], $0x4000  }
.Ltmp1:
0x24: {  	[sflag:s9] =	ssyncset.done $0x0;
	(pc) =	sbr.rel @p0 .LBB2_1-.Ltmp1, $4  }
0x25: {  	[sflag:s9] =	ssyncadd.s32 $0xFFFFC000  }
0x26: {  	[hbm4b:s10+s3] =	stream.linear.scatter [tilespmem:s7], [sflag:$0x2], $0x8000, $0x38;
	[tilespmem:$0x8100] =	vst v63  }
0x27: {  	_ =	swait.ge [sflag:s4], $0x8000  }
0x28: {  	[sflag:s4] =	ssyncset.done $0x0  }
.LBB2_2:
0x29: {  	[sflag:s4] =	ssyncadd.s32 $0xFFFF8000  }
0x2a: {  	_ =	sfence.sel $0x180000  }
0x2b: {  	[bflag:$0x0] =	sbarrier.arrive $0xFFFF  }
0x2c: {  	p0 =	sne.s32 s0, $0x0;
	_ =	strace $0x90000047  }
0x2d: {  	s0 =	sadd.s32 @!p0 $0x100000, s1;
	[bflag:$0x2] =	sbarrier.arrive $0xFFFF  }
0x2e: {  	[sflag:s0] =	ssyncadd.tile.s32 @!p0 $0x1;
	_ =	shalt  }
.Lfunc_end2:
_tile_overlayer_lowered:
.L_overlay_start_2:
0x2f: {  	(tag) =	ssettag $0x2  }
0x30: {  	s0 =	rddreg [dreg:$0x0];
	s2 =	stileid.u32  }
0x31: {  	s1 =	rddreg [dreg:$0x1];
	p0 =	sne.s32 s2, $0x0  }
0x32: {  	s3 =	rddreg [dreg:$0x2];
	[bflag:$0x3] =	sbarrier.arrive $0xFFFF;
	s2 =	simm.s32 @!p0 $0x1C02  }
0x33: {  	[timem:s3], [sflag:s2] =	dma.local @!p0 [hbm:s0], s1  }
0x34: {  	s0 =	simm.s32 @!p0 $0x2  }
0x35: {  	_ =	swait.ge @!p0 [sflag:s0], s1  }
0x36: {  	s1 =	ssub.s32 @!p0 $0x0, s1;
	[sflag:s0] =	ssyncset.done @!p0 $0x0  }
0x37: {  	[sflag:s0] =	ssyncadd.s32 @!p0 s1  }
0x38: {  	[bflag:$0x3] =	sbarrier.arrive $0xFFFF  }
0x39: {  	_ =	shalt  }

</sc_bundles>
